<compile_context>
chip_gen: v7x
topology: tpu7x:2x2x1
jax: 0.10.2.dev20260603
libtpu: 0.0.44.dev20260713+nightly
codegen_flags: <defaults>
</compile_context>

<pallas_src>
import functools

import jax
import jax.numpy as jnp
from jax import lax
from jax.experimental import pallas as pl
from jax.experimental.pallas import tpu as pltpu
from jax.experimental.pallas import tpu_sc as plsc

VOCAB = 100000
EMB_DIM = 128
BATCH = 4096
SEQ_LEN = 50

NC = 2
NS = 16
NW = NC * NS
CHUNK = BATCH // NW
NBUF = 5
assert SEQ_LEN % NBUF == 0

_mesh = plsc.VectorSubcoreMesh(
    core_axis_name="c", subcore_axis_name="s", num_cores=NC
)


@functools.partial(
    pl.kernel,
    mesh=_mesh,
    out_type=jax.ShapeDtypeStruct((SEQ_LEN, BATCH, EMB_DIM), jnp.float32),
    scratch_types=(
        [pltpu.VMEM((SEQ_LEN, CHUNK), jnp.int32)]
        + [pltpu.VMEM((CHUNK, EMB_DIM), jnp.float32)] * NBUF
        + [pltpu.SemaphoreType.DMA] * NBUF
    ),
    compiler_params=pltpu.CompilerParams(use_tc_tiling_on_sc=True),
)
def _sc_gather(idx_hbm, table_hbm, out_hbm, idx_v, *bufs):
    rows = bufs[:NBUF]
    sems = bufs[NBUF:]
    wid = lax.axis_index("s") * NC + lax.axis_index("c")
    base = wid * CHUNK

    pltpu.sync_copy(idx_hbm.at[:, pl.ds(base, CHUNK)], idx_v)

    for b in range(NBUF):
        pltpu.async_copy(table_hbm.at[idx_v.at[b]], rows[b], sems[b])

    def body(i, carry):
        for b in range(NBUF):
            s = i * NBUF + b
            pltpu.make_async_copy(
                table_hbm.at[idx_v.at[s]], rows[b], sems[b]
            ).wait()
            pltpu.sync_copy(rows[b], out_hbm.at[s, pl.ds(base, CHUNK)])

            @pl.when(s + NBUF < SEQ_LEN)
            def _():
                pltpu.async_copy(
                    table_hbm.at[idx_v.at[s + NBUF]], rows[b], sems[b]
                )

        return carry

    lax.fori_loop(0, SEQ_LEN // NBUF, body, 0)


def kernel(word_inputs, word_seq_lengths, embedding_weight):
    del word_seq_lengths
    out = _sc_gather(word_inputs.T, embedding_weight)
    return out.transpose(1, 0, 2)

# --- scband reference (transcript-rebuilt; emitter-appended) ---
"""Pipeline reference for scband-word-rep-28991029248602 (READ-ONLY COPY).

The authoritative reference and input builder live on the scoring server;
editing this copy changes nothing except your own understanding.
"""

import jax, jax.numpy as jnp
import numpy as np

VOCAB = 100000
EMB_DIM = 128
BATCH = 4096
SEQ_LEN = 50


def setup_inputs(seed: int = 0) -> dict:
    key = jax.random.key(seed)
    k1, k2, k3 = jax.random.split(key, 3)
    word_inputs = jax.random.randint(k1, (BATCH, SEQ_LEN), 0, VOCAB, dtype=jnp.int32)
    word_seq_lengths = jax.random.randint(k2, (BATCH,), 1, SEQ_LEN + 1, dtype=jnp.int32)
    # Embedding table initialized like random_embedding: uniform(-scale, scale), scale = sqrt(3/dim)
    scale = float(np.sqrt(3.0 / EMB_DIM))
    embedding_weight = jax.random.uniform(k3, (VOCAB, EMB_DIM), minval=-scale, maxval=scale, dtype=jnp.float32)
    return {"word_inputs": word_inputs, "word_seq_lengths": word_seq_lengths, "embedding_weight": embedding_weight}


def reference(word_inputs, word_seq_lengths, embedding_weight):
    # word_embs = self.word_embedding(word_inputs)  -> gather rows from the table
    word_embs = jnp.take(embedding_weight, word_inputs, axis=0)
    # use_bert=False so word_list == [word_embs]; concat along dim 2 is identity
    word_represent = word_embs
    # Dropout is identity at inference (deterministic reference)
    return word_represent

if __name__ == "__main__":
    import jax
    _d = setup_inputs()
    print(jax.jit(kernel)(*tuple(_d.values())))

</pallas_src>

<mosaic_0001>
#map = affine_map<(d0, d1) -> (0, 0)>
#map1 = affine_map<(d0, d1) -> (0, 0, 0)>
module attributes {stable_mosaic.version = 14 : i64} {
  func.func @_sc_gather(%arg0: i32, %arg1: i32, %arg2: memref<50x4096xi32, #tpu.memory_space<hbm>>, %arg3: memref<100000x128xf32, #tpu.memory_space<hbm>>, %arg4: memref<50x4096x128xf32, #tpu.memory_space<hbm>>, %arg5: memref<50x128xi32, #tpu.memory_space<vmem>>, %arg6: memref<128x128xf32, #tpu.memory_space<vmem>>, %arg7: memref<128x128xf32, #tpu.memory_space<vmem>>, %arg8: memref<128x128xf32, #tpu.memory_space<vmem>>, %arg9: memref<128x128xf32, #tpu.memory_space<vmem>>, %arg10: memref<128x128xf32, #tpu.memory_space<vmem>>, %arg11: memref<!tpu.dma_semaphore, #tpu.memory_space<semaphore_mem>>, %arg12: memref<!tpu.dma_semaphore, #tpu.memory_space<semaphore_mem>>, %arg13: memref<!tpu.dma_semaphore, #tpu.memory_space<semaphore_mem>>, %arg14: memref<!tpu.dma_semaphore, #tpu.memory_space<semaphore_mem>>, %arg15: memref<!tpu.dma_semaphore, #tpu.memory_space<semaphore_mem>>) attributes {dimension_semantics = [#tpu.dimension_semantics<core_parallel>, #tpu.dimension_semantics<subcore_parallel>], iteration_bounds = array<i64: 2, 16>, scalar_prefetch = 0 : i64, scratch_operands = 11 : i64, tpu.core_type = #tpu.core_type<sc_vector_subcore>, window_params = [{transform_indices = #map}, {transform_indices = #map}, {transform_indices = #map1}]} {
    %mul3A = arith.constant 2 : i32
    %mul3A_0 = arith.muli %arg1, %mul3A : i32
    %add3A = arith.addi %mul3A_0, %arg0 : i32
    %mul3A_1 = arith.constant 128 : i32
    %mul3A_2 = arith.muli %add3A, %mul3A_1 : i32
    "tpu.region"() ({
      %run_scoped3A = tpu.sem_alloc : memref<!tpu.dma_semaphore, #tpu.memory_space<semaphore_mem>>
      %dma_start3A_42 = arith.constant 0 : i32
      %dma_start3A_43 = tpu.memref_slice %arg2[%dma_start3A_42, %mul3A_2] : memref<50x4096xi32, #tpu.memory_space<hbm>> -> memref<50x128xi32, #tpu.memory_space<hbm>>
      %dma_start3A_44 = arith.constant 0 : i32
      %dma_start3A_45 = tpu.memref_slice %arg2[%dma_start3A_44, %mul3A_2] : memref<50x4096xi32, #tpu.memory_space<hbm>> -> memref<50x128xi32, #tpu.memory_space<hbm>>
      tpu.enqueue_dma source(%dma_start3A_45 : memref<50x128xi32, #tpu.memory_space<hbm>>) target(%arg5 : memref<50x128xi32, #tpu.memory_space<vmem>>) target_semaphore(%run_scoped3A : memref<!tpu.dma_semaphore, #tpu.memory_space<semaphore_mem>>)
      %dma_wait3A = arith.constant 0 : i32
      %dma_wait3A_46 = tpu.memref_slice %arg2[%dma_wait3A, %mul3A_2] : memref<50x4096xi32, #tpu.memory_space<hbm>> -> memref<50x128xi32, #tpu.memory_space<hbm>>
      %dma_wait3A_47 = arith.constant 0 : i32
      %dma_wait3A_48 = tpu.memref_slice %arg2[%dma_wait3A_47, %mul3A_2] : memref<50x4096xi32, #tpu.memory_space<hbm>> -> memref<50x128xi32, #tpu.memory_space<hbm>>
      tpu.wait_dma2 semaphore(%run_scoped3A : memref<!tpu.dma_semaphore, #tpu.memory_space<semaphore_mem>>) src(%dma_wait3A_48 : memref<50x128xi32, #tpu.memory_space<hbm>>) dst(%arg5 : memref<50x128xi32, #tpu.memory_space<vmem>>)
      tpu.yield
    }) : () -> ()
    %dma_start3A = arith.constant 0 : i32
    %dma_start3A_3 = arith.constant 0 : i32
    %dma_start3A_4 = tpu.memref_slice %arg5[%dma_start3A, %dma_start3A_3] : memref<50x128xi32, #tpu.memory_space<vmem>> -> memref<1x128xi32, #tpu.memory_space<vmem>>
    %dma_start3A_5 = tpu.memref_squeeze %dma_start3A_4 : memref<1x128xi32, #tpu.memory_space<vmem>> -> memref<128xi32, #tpu.memory_space<vmem>>
    %dma_start3A_6 = arith.constant 0 : i32
    %dma_start3A_7 = arith.constant 0 : i32
    %dma_start3A_8 = tpu.memref_slice %arg3[%dma_start3A_6, %dma_start3A_7] : memref<100000x128xf32, #tpu.memory_space<hbm>> -> memref<100000x128xf32, #tpu.memory_space<hbm>>
    tpu.enqueue_indirect_dma source(%dma_start3A_8 : memref<100000x128xf32, #tpu.memory_space<hbm>>) target(%arg6 : memref<128x128xf32, #tpu.memory_space<vmem>>) offsets(%dma_start3A_5 : memref<128xi32, #tpu.memory_space<vmem>>) semaphore(%arg11 : memref<!tpu.dma_semaphore, #tpu.memory_space<semaphore_mem>>)
    %dma_start3A_9 = arith.constant 1 : i32
    %dma_start3A_10 = arith.constant 0 : i32
    %dma_start3A_11 = tpu.memref_slice %arg5[%dma_start3A_9, %dma_start3A_10] : memref<50x128xi32, #tpu.memory_space<vmem>> -> memref<1x128xi32, #tpu.memory_space<vmem>>
    %dma_start3A_12 = tpu.memref_squeeze %dma_start3A_11 : memref<1x128xi32, #tpu.memory_space<vmem>> -> memref<128xi32, #tpu.memory_space<vmem>>
    %dma_start3A_13 = arith.constant 0 : i32
    %dma_start3A_14 = arith.constant 0 : i32
    %dma_start3A_15 = tpu.memref_slice %arg3[%dma_start3A_13, %dma_start3A_14] : memref<100000x128xf32, #tpu.memory_space<hbm>> -> memref<100000x128xf32, #tpu.memory_space<hbm>>
    tpu.enqueue_indirect_dma source(%dma_start3A_15 : memref<100000x128xf32, #tpu.memory_space<hbm>>) target(%arg7 : memref<128x128xf32, #tpu.memory_space<vmem>>) offsets(%dma_start3A_12 : memref<128xi32, #tpu.memory_space<vmem>>) semaphore(%arg12 : memref<!tpu.dma_semaphore, #tpu.memory_space<semaphore_mem>>)
    %dma_start3A_16 = arith.constant 2 : i32
    %dma_start3A_17 = arith.constant 0 : i32
    %dma_start3A_18 = tpu.memref_slice %arg5[%dma_start3A_16, %dma_start3A_17] : memref<50x128xi32, #tpu.memory_space<vmem>> -> memref<1x128xi32, #tpu.memory_space<vmem>>
    %dma_start3A_19 = tpu.memref_squeeze %dma_start3A_18 : memref<1x128xi32, #tpu.memory_space<vmem>> -> memref<128xi32, #tpu.memory_space<vmem>>
    %dma_start3A_20 = arith.constant 0 : i32
    %dma_start3A_21 = arith.constant 0 : i32
    %dma_start3A_22 = tpu.memref_slice %arg3[%dma_start3A_20, %dma_start3A_21] : memref<100000x128xf32, #tpu.memory_space<hbm>> -> memref<100000x128xf32, #tpu.memory_space<hbm>>
    tpu.enqueue_indirect_dma source(%dma_start3A_22 : memref<100000x128xf32, #tpu.memory_space<hbm>>) target(%arg8 : memref<128x128xf32, #tpu.memory_space<vmem>>) offsets(%dma_start3A_19 : memref<128xi32, #tpu.memory_space<vmem>>) semaphore(%arg13 : memref<!tpu.dma_semaphore, #tpu.memory_space<semaphore_mem>>)
    %dma_start3A_23 = arith.constant 3 : i32
    %dma_start3A_24 = arith.constant 0 : i32
    %dma_start3A_25 = tpu.memref_slice %arg5[%dma_start3A_23, %dma_start3A_24] : memref<50x128xi32, #tpu.memory_space<vmem>> -> memref<1x128xi32, #tpu.memory_space<vmem>>
    %dma_start3A_26 = tpu.memref_squeeze %dma_start3A_25 : memref<1x128xi32, #tpu.memory_space<vmem>> -> memref<128xi32, #tpu.memory_space<vmem>>
    %dma_start3A_27 = arith.constant 0 : i32
    %dma_start3A_28 = arith.constant 0 : i32
    %dma_start3A_29 = tpu.memref_slice %arg3[%dma_start3A_27, %dma_start3A_28] : memref<100000x128xf32, #tpu.memory_space<hbm>> -> memref<100000x128xf32, #tpu.memory_space<hbm>>
    tpu.enqueue_indirect_dma source(%dma_start3A_29 : memref<100000x128xf32, #tpu.memory_space<hbm>>) target(%arg9 : memref<128x128xf32, #tpu.memory_space<vmem>>) offsets(%dma_start3A_26 : memref<128xi32, #tpu.memory_space<vmem>>) semaphore(%arg14 : memref<!tpu.dma_semaphore, #tpu.memory_space<semaphore_mem>>)
    %dma_start3A_30 = arith.constant 4 : i32
    %dma_start3A_31 = arith.constant 0 : i32
    %dma_start3A_32 = tpu.memref_slice %arg5[%dma_start3A_30, %dma_start3A_31] : memref<50x128xi32, #tpu.memory_space<vmem>> -> memref<1x128xi32, #tpu.memory_space<vmem>>
    %dma_start3A_33 = tpu.memref_squeeze %dma_start3A_32 : memref<1x128xi32, #tpu.memory_space<vmem>> -> memref<128xi32, #tpu.memory_space<vmem>>
    %dma_start3A_34 = arith.constant 0 : i32
    %dma_start3A_35 = arith.constant 0 : i32
    %dma_start3A_36 = tpu.memref_slice %arg3[%dma_start3A_34, %dma_start3A_35] : memref<100000x128xf32, #tpu.memory_space<hbm>> -> memref<100000x128xf32, #tpu.memory_space<hbm>>
    tpu.enqueue_indirect_dma source(%dma_start3A_36 : memref<100000x128xf32, #tpu.memory_space<hbm>>) target(%arg10 : memref<128x128xf32, #tpu.memory_space<vmem>>) offsets(%dma_start3A_33 : memref<128xi32, #tpu.memory_space<vmem>>) semaphore(%arg15 : memref<!tpu.dma_semaphore, #tpu.memory_space<semaphore_mem>>)
    %scan3A = arith.constant 0 : i32
    %scan3A_37 = arith.constant 0 : i32
    %scan3A_38 = arith.constant 10 : i32
    %scan3A_39 = arith.addi %scan3A_37, %scan3A_38 : i32
    %scan3A_40 = arith.constant 1 : i32
    scf.for %scan3A_42 = %scan3A_37 to %scan3A_39 step %scan3A_40  : i32 {
      %mul3A_43 = arith.constant 5 : i32
      %mul3A_44 = arith.muli %scan3A_42, %mul3A_43 : i32
      %add3A_45 = arith.constant 0 : i32
      %add3A_46 = arith.addi %mul3A_44, %add3A_45 : i32
      %dma_wait3A = arith.constant 0 : i32
      %dma_wait3A_47 = tpu.memref_slice %arg5[%add3A_46, %dma_wait3A] : memref<50x128xi32, #tpu.memory_space<vmem>> -> memref<1x128xi32, #tpu.memory_space<vmem>>
      %dma_wait3A_48 = tpu.memref_squeeze %dma_wait3A_47 : memref<1x128xi32, #tpu.memory_space<vmem>> -> memref<128xi32, #tpu.memory_space<vmem>>
      %dma_wait3A_49 = arith.constant 0 : i32
      %dma_wait3A_50 = arith.constant 0 : i32
      %dma_wait3A_51 = tpu.memref_slice %arg3[%dma_wait3A_49, %dma_wait3A_50] : memref<100000x128xf32, #tpu.memory_space<hbm>> -> memref<100000x128xf32, #tpu.memory_space<hbm>>
      tpu.wait_indirect_dma semaphore(%arg11 : memref<!tpu.dma_semaphore, #tpu.memory_space<semaphore_mem>>) src(%dma_wait3A_51 : memref<100000x128xf32, #tpu.memory_space<hbm>>) dst(%arg6 : memref<128x128xf32, #tpu.memory_space<vmem>>)
      "tpu.region"() ({
        %run_scoped3A = tpu.sem_alloc : memref<!tpu.dma_semaphore, #tpu.memory_space<semaphore_mem>>
        %dma_start3A_124 = arith.constant 0 : i32
        %dma_start3A_125 = tpu.memref_slice %arg4[%add3A_46, %mul3A_2, %dma_start3A_124] : memref<50x4096x128xf32, #tpu.memory_space<hbm>> -> memref<1x128x128xf32, #tpu.memory_space<hbm>>
        %dma_start3A_126 = tpu.memref_squeeze %dma_start3A_125 : memref<1x128x128xf32, #tpu.memory_space<hbm>> -> memref<128x128xf32, #tpu.memory_space<hbm>>
        %dma_start3A_127 = arith.constant 0 : i32
        %dma_start3A_128 = tpu.memref_slice %arg4[%add3A_46, %mul3A_2, %dma_start3A_127] : memref<50x4096x128xf32, #tpu.memory_space<hbm>> -> memref<1x128x128xf32, #tpu.memory_space<hbm>>
        %dma_start3A_129 = tpu.memref_squeeze %dma_start3A_128 : memref<1x128x128xf32, #tpu.memory_space<hbm>> -> memref<128x128xf32, #tpu.memory_space<hbm>>
        tpu.enqueue_dma source(%arg6 : memref<128x128xf32, #tpu.memory_space<vmem>>) target(%dma_start3A_129 : memref<128x128xf32, #tpu.memory_space<hbm>>) target_semaphore(%run_scoped3A : memref<!tpu.dma_semaphore, #tpu.memory_space<semaphore_mem>>)
        %dma_wait3A_130 = arith.constant 0 : i32
        %dma_wait3A_131 = tpu.memref_slice %arg4[%add3A_46, %mul3A_2, %dma_wait3A_130] : memref<50x4096x128xf32, #tpu.memory_space<hbm>> -> memref<1x128x128xf32, #tpu.memory_space<hbm>>
        %dma_wait3A_132 = tpu.memref_squeeze %dma_wait3A_131 : memref<1x128x128xf32, #tpu.memory_space<hbm>> -> memref<128x128xf32, #tpu.memory_space<hbm>>
        %dma_wait3A_133 = arith.constant 0 : i32
        %dma_wait3A_134 = tpu.memref_slice %arg4[%add3A_46, %mul3A_2, %dma_wait3A_133] : memref<50x4096x128xf32, #tpu.memory_space<hbm>> -> memref<1x128x128xf32, #tpu.memory_space<hbm>>
        %dma_wait3A_135 = tpu.memref_squeeze %dma_wait3A_134 : memref<1x128x128xf32, #tpu.memory_space<hbm>> -> memref<128x128xf32, #tpu.memory_space<hbm>>
        tpu.wait_dma2 semaphore(%run_scoped3A : memref<!tpu.dma_semaphore, #tpu.memory_space<semaphore_mem>>) src(%arg6 : memref<128x128xf32, #tpu.memory_space<vmem>>) dst(%dma_wait3A_135 : memref<128x128xf32, #tpu.memory_space<hbm>>)
        tpu.yield
      }) : () -> ()
      %add3A_52 = arith.constant 5 : i32
      %add3A_53 = arith.addi %add3A_46, %add3A_52 : i32
      %lt3A = arith.constant 50 : i32
      %lt3A_54 = arith.cmpi slt, %add3A_53, %lt3A : i32
      %convert_element_type3A = arith.extui %lt3A_54 : i1 to i32
      %cond3A = arith.constant 0 : i32
      %cond3A_55 = arith.cmpi ne, %convert_element_type3A, %cond3A : i32
      scf.if %cond3A_55 {
        %add3A_124 = arith.constant 5 : i32
        %add3A_125 = arith.addi %add3A_46, %add3A_124 : i32
        %dma_start3A_126 = arith.constant 0 : i32
        %dma_start3A_127 = tpu.memref_slice %arg5[%add3A_125, %dma_start3A_126] : memref<50x128xi32, #tpu.memory_space<vmem>> -> memref<1x128xi32, #tpu.memory_space<vmem>>
        %dma_start3A_128 = tpu.memref_squeeze %dma_start3A_127 : memref<1x128xi32, #tpu.memory_space<vmem>> -> memref<128xi32, #tpu.memory_space<vmem>>
        %dma_start3A_129 = arith.constant 0 : i32
        %dma_start3A_130 = arith.constant 0 : i32
        %dma_start3A_131 = tpu.memref_slice %arg3[%dma_start3A_129, %dma_start3A_130] : memref<100000x128xf32, #tpu.memory_space<hbm>> -> memref<100000x128xf32, #tpu.memory_space<hbm>>
        tpu.enqueue_indirect_dma source(%dma_start3A_131 : memref<100000x128xf32, #tpu.memory_space<hbm>>) target(%arg6 : memref<128x128xf32, #tpu.memory_space<vmem>>) offsets(%dma_start3A_128 : memref<128xi32, #tpu.memory_space<vmem>>) semaphore(%arg11 : memref<!tpu.dma_semaphore, #tpu.memory_space<semaphore_mem>>)
      } else {
      }
      %mul3A_56 = arith.constant 5 : i32
      %mul3A_57 = arith.muli %scan3A_42, %mul3A_56 : i32
      %add3A_58 = arith.constant 1 : i32
      %add3A_59 = arith.addi %mul3A_57, %add3A_58 : i32
      %dma_wait3A_60 = arith.constant 0 : i32
      %dma_wait3A_61 = tpu.memref_slice %arg5[%add3A_59, %dma_wait3A_60] : memref<50x128xi32, #tpu.memory_space<vmem>> -> memref<1x128xi32, #tpu.memory_space<vmem>>
      %dma_wait3A_62 = tpu.memref_squeeze %dma_wait3A_61 : memref<1x128xi32, #tpu.memory_space<vmem>> -> memref<128xi32, #tpu.memory_space<vmem>>
      %dma_wait3A_63 = arith.constant 0 : i32
      %dma_wait3A_64 = arith.constant 0 : i32
      %dma_wait3A_65 = tpu.memref_slice %arg3[%dma_wait3A_63, %dma_wait3A_64] : memref<100000x128xf32, #tpu.memory_space<hbm>> -> memref<100000x128xf32, #tpu.memory_space<hbm>>
      tpu.wait_indirect_dma semaphore(%arg12 : memref<!tpu.dma_semaphore, #tpu.memory_space<semaphore_mem>>) src(%dma_wait3A_65 : memref<100000x128xf32, #tpu.memory_space<hbm>>) dst(%arg7 : memref<128x128xf32, #tpu.memory_space<vmem>>)
      "tpu.region"() ({
        %run_scoped3A = tpu.sem_alloc : memref<!tpu.dma_semaphore, #tpu.memory_space<semaphore_mem>>
        %dma_start3A_124 = arith.constant 0 : i32
        %dma_start3A_125 = tpu.memref_slice %arg4[%add3A_59, %mul3A_2, %dma_start3A_124] : memref<50x4096x128xf32, #tpu.memory_space<hbm>> -> memref<1x128x128xf32, #tpu.memory_space<hbm>>
        %dma_start3A_126 = tpu.memref_squeeze %dma_start3A_125 : memref<1x128x128xf32, #tpu.memory_space<hbm>> -> memref<128x128xf32, #tpu.memory_space<hbm>>
        %dma_start3A_127 = arith.constant 0 : i32
        %dma_start3A_128 = tpu.memref_slice %arg4[%add3A_59, %mul3A_2, %dma_start3A_127] : memref<50x4096x128xf32, #tpu.memory_space<hbm>> -> memref<1x128x128xf32, #tpu.memory_space<hbm>>
        %dma_start3A_129 = tpu.memref_squeeze %dma_start3A_128 : memref<1x128x128xf32, #tpu.memory_space<hbm>> -> memref<128x128xf32, #tpu.memory_space<hbm>>
        tpu.enqueue_dma source(%arg7 : memref<128x128xf32, #tpu.memory_space<vmem>>) target(%dma_start3A_129 : memref<128x128xf32, #tpu.memory_space<hbm>>) target_semaphore(%run_scoped3A : memref<!tpu.dma_semaphore, #tpu.memory_space<semaphore_mem>>)
        %dma_wait3A_130 = arith.constant 0 : i32
        %dma_wait3A_131 = tpu.memref_slice %arg4[%add3A_59, %mul3A_2, %dma_wait3A_130] : memref<50x4096x128xf32, #tpu.memory_space<hbm>> -> memref<1x128x128xf32, #tpu.memory_space<hbm>>
        %dma_wait3A_132 = tpu.memref_squeeze %dma_wait3A_131 : memref<1x128x128xf32, #tpu.memory_space<hbm>> -> memref<128x128xf32, #tpu.memory_space<hbm>>
        %dma_wait3A_133 = arith.constant 0 : i32
        %dma_wait3A_134 = tpu.memref_slice %arg4[%add3A_59, %mul3A_2, %dma_wait3A_133] : memref<50x4096x128xf32, #tpu.memory_space<hbm>> -> memref<1x128x128xf32, #tpu.memory_space<hbm>>
        %dma_wait3A_135 = tpu.memref_squeeze %dma_wait3A_134 : memref<1x128x128xf32, #tpu.memory_space<hbm>> -> memref<128x128xf32, #tpu.memory_space<hbm>>
        tpu.wait_dma2 semaphore(%run_scoped3A : memref<!tpu.dma_semaphore, #tpu.memory_space<semaphore_mem>>) src(%arg7 : memref<128x128xf32, #tpu.memory_space<vmem>>) dst(%dma_wait3A_135 : memref<128x128xf32, #tpu.memory_space<hbm>>)
        tpu.yield
      }) : () -> ()
      %add3A_66 = arith.constant 5 : i32
      %add3A_67 = arith.addi %add3A_59, %add3A_66 : i32
      %lt3A_68 = arith.constant 50 : i32
      %lt3A_69 = arith.cmpi slt, %add3A_67, %lt3A_68 : i32
      %convert_element_type3A_70 = arith.extui %lt3A_69 : i1 to i32
      %cond3A_71 = arith.constant 0 : i32
      %cond3A_72 = arith.cmpi ne, %convert_element_type3A_70, %cond3A_71 : i32
      scf.if %cond3A_72 {
        %add3A_124 = arith.constant 5 : i32
        %add3A_125 = arith.addi %add3A_59, %add3A_124 : i32
        %dma_start3A_126 = arith.constant 0 : i32
        %dma_start3A_127 = tpu.memref_slice %arg5[%add3A_125, %dma_start3A_126] : memref<50x128xi32, #tpu.memory_space<vmem>> -> memref<1x128xi32, #tpu.memory_space<vmem>>
        %dma_start3A_128 = tpu.memref_squeeze %dma_start3A_127 : memref<1x128xi32, #tpu.memory_space<vmem>> -> memref<128xi32, #tpu.memory_space<vmem>>
        %dma_start3A_129 = arith.constant 0 : i32
        %dma_start3A_130 = arith.constant 0 : i32
        %dma_start3A_131 = tpu.memref_slice %arg3[%dma_start3A_129, %dma_start3A_130] : memref<100000x128xf32, #tpu.memory_space<hbm>> -> memref<100000x128xf32, #tpu.memory_space<hbm>>
        tpu.enqueue_indirect_dma source(%dma_start3A_131 : memref<100000x128xf32, #tpu.memory_space<hbm>>) target(%arg7 : memref<128x128xf32, #tpu.memory_space<vmem>>) offsets(%dma_start3A_128 : memref<128xi32, #tpu.memory_space<vmem>>) semaphore(%arg12 : memref<!tpu.dma_semaphore, #tpu.memory_space<semaphore_mem>>)
      } else {
      }
      %mul3A_73 = arith.constant 5 : i32
      %mul3A_74 = arith.muli %scan3A_42, %mul3A_73 : i32
      %add3A_75 = arith.constant 2 : i32
      %add3A_76 = arith.addi %mul3A_74, %add3A_75 : i32
      %dma_wait3A_77 = arith.constant 0 : i32
      %dma_wait3A_78 = tpu.memref_slice %arg5[%add3A_76, %dma_wait3A_77] : memref<50x128xi32, #tpu.memory_space<vmem>> -> memref<1x128xi32, #tpu.memory_space<vmem>>
      %dma_wait3A_79 = tpu.memref_squeeze %dma_wait3A_78 : memref<1x128xi32, #tpu.memory_space<vmem>> -> memref<128xi32, #tpu.memory_space<vmem>>
      %dma_wait3A_80 = arith.constant 0 : i32
      %dma_wait3A_81 = arith.constant 0 : i32
      %dma_wait3A_82 = tpu.memref_slice %arg3[%dma_wait3A_80, %dma_wait3A_81] : memref<100000x128xf32, #tpu.memory_space<hbm>> -> memref<100000x128xf32, #tpu.memory_space<hbm>>
      tpu.wait_indirect_dma semaphore(%arg13 : memref<!tpu.dma_semaphore, #tpu.memory_space<semaphore_mem>>) src(%dma_wait3A_82 : memref<100000x128xf32, #tpu.memory_space<hbm>>) dst(%arg8 : memref<128x128xf32, #tpu.memory_space<vmem>>)
      "tpu.region"() ({
        %run_scoped3A = tpu.sem_alloc : memref<!tpu.dma_semaphore, #tpu.memory_space<semaphore_mem>>
        %dma_start3A_124 = arith.constant 0 : i32
        %dma_start3A_125 = tpu.memref_slice %arg4[%add3A_76, %mul3A_2, %dma_start3A_124] : memref<50x4096x128xf32, #tpu.memory_space<hbm>> -> memref<1x128x128xf32, #tpu.memory_space<hbm>>
        %dma_start3A_126 = tpu.memref_squeeze %dma_start3A_125 : memref<1x128x128xf32, #tpu.memory_space<hbm>> -> memref<128x128xf32, #tpu.memory_space<hbm>>
        %dma_start3A_127 = arith.constant 0 : i32
        %dma_start3A_128 = tpu.memref_slice %arg4[%add3A_76, %mul3A_2, %dma_start3A_127] : memref<50x4096x128xf32, #tpu.memory_space<hbm>> -> memref<1x128x128xf32, #tpu.memory_space<hbm>>
        %dma_start3A_129 = tpu.memref_squeeze %dma_start3A_128 : memref<1x128x128xf32, #tpu.memory_space<hbm>> -> memref<128x128xf32, #tpu.memory_space<hbm>>
        tpu.enqueue_dma source(%arg8 : memref<128x128xf32, #tpu.memory_space<vmem>>) target(%dma_start3A_129 : memref<128x128xf32, #tpu.memory_space<hbm>>) target_semaphore(%run_scoped3A : memref<!tpu.dma_semaphore, #tpu.memory_space<semaphore_mem>>)
        %dma_wait3A_130 = arith.constant 0 : i32
        %dma_wait3A_131 = tpu.memref_slice %arg4[%add3A_76, %mul3A_2, %dma_wait3A_130] : memref<50x4096x128xf32, #tpu.memory_space<hbm>> -> memref<1x128x128xf32, #tpu.memory_space<hbm>>
        %dma_wait3A_132 = tpu.memref_squeeze %dma_wait3A_131 : memref<1x128x128xf32, #tpu.memory_space<hbm>> -> memref<128x128xf32, #tpu.memory_space<hbm>>
        %dma_wait3A_133 = arith.constant 0 : i32
        %dma_wait3A_134 = tpu.memref_slice %arg4[%add3A_76, %mul3A_2, %dma_wait3A_133] : memref<50x4096x128xf32, #tpu.memory_space<hbm>> -> memref<1x128x128xf32, #tpu.memory_space<hbm>>
        %dma_wait3A_135 = tpu.memref_squeeze %dma_wait3A_134 : memref<1x128x128xf32, #tpu.memory_space<hbm>> -> memref<128x128xf32, #tpu.memory_space<hbm>>
        tpu.wait_dma2 semaphore(%run_scoped3A : memref<!tpu.dma_semaphore, #tpu.memory_space<semaphore_mem>>) src(%arg8 : memref<128x128xf32, #tpu.memory_space<vmem>>) dst(%dma_wait3A_135 : memref<128x128xf32, #tpu.memory_space<hbm>>)
        tpu.yield
      }) : () -> ()
      %add3A_83 = arith.constant 5 : i32
      %add3A_84 = arith.addi %add3A_76, %add3A_83 : i32
      %lt3A_85 = arith.constant 50 : i32
      %lt3A_86 = arith.cmpi slt, %add3A_84, %lt3A_85 : i32
      %convert_element_type3A_87 = arith.extui %lt3A_86 : i1 to i32
      %cond3A_88 = arith.constant 0 : i32
      %cond3A_89 = arith.cmpi ne, %convert_element_type3A_87, %cond3A_88 : i32
      scf.if %cond3A_89 {
        %add3A_124 = arith.constant 5 : i32
        %add3A_125 = arith.addi %add3A_76, %add3A_124 : i32
        %dma_start3A_126 = arith.constant 0 : i32
        %dma_start3A_127 = tpu.memref_slice %arg5[%add3A_125, %dma_start3A_126] : memref<50x128xi32, #tpu.memory_space<vmem>> -> memref<1x128xi32, #tpu.memory_space<vmem>>
        %dma_start3A_128 = tpu.memref_squeeze %dma_start3A_127 : memref<1x128xi32, #tpu.memory_space<vmem>> -> memref<128xi32, #tpu.memory_space<vmem>>
        %dma_start3A_129 = arith.constant 0 : i32
        %dma_start3A_130 = arith.constant 0 : i32
        %dma_start3A_131 = tpu.memref_slice %arg3[%dma_start3A_129, %dma_start3A_130] : memref<100000x128xf32, #tpu.memory_space<hbm>> -> memref<100000x128xf32, #tpu.memory_space<hbm>>
        tpu.enqueue_indirect_dma source(%dma_start3A_131 : memref<100000x128xf32, #tpu.memory_space<hbm>>) target(%arg8 : memref<128x128xf32, #tpu.memory_space<vmem>>) offsets(%dma_start3A_128 : memref<128xi32, #tpu.memory_space<vmem>>) semaphore(%arg13 : memref<!tpu.dma_semaphore, #tpu.memory_space<semaphore_mem>>)
      } else {
      }
      %mul3A_90 = arith.constant 5 : i32
      %mul3A_91 = arith.muli %scan3A_42, %mul3A_90 : i32
      %add3A_92 = arith.constant 3 : i32
      %add3A_93 = arith.addi %mul3A_91, %add3A_92 : i32
      %dma_wait3A_94 = arith.constant 0 : i32
      %dma_wait3A_95 = tpu.memref_slice %arg5[%add3A_93, %dma_wait3A_94] : memref<50x128xi32, #tpu.memory_space<vmem>> -> memref<1x128xi32, #tpu.memory_space<vmem>>
      %dma_wait3A_96 = tpu.memref_squeeze %dma_wait3A_95 : memref<1x128xi32, #tpu.memory_space<vmem>> -> memref<128xi32, #tpu.memory_space<vmem>>
      %dma_wait3A_97 = arith.constant 0 : i32
      %dma_wait3A_98 = arith.constant 0 : i32
      %dma_wait3A_99 = tpu.memref_slice %arg3[%dma_wait3A_97, %dma_wait3A_98] : memref<100000x128xf32, #tpu.memory_space<hbm>> -> memref<100000x128xf32, #tpu.memory_space<hbm>>
      tpu.wait_indirect_dma semaphore(%arg14 : memref<!tpu.dma_semaphore, #tpu.memory_space<semaphore_mem>>) src(%dma_wait3A_99 : memref<100000x128xf32, #tpu.memory_space<hbm>>) dst(%arg9 : memref<128x128xf32, #tpu.memory_space<vmem>>)
      "tpu.region"() ({
        %run_scoped3A = tpu.sem_alloc : memref<!tpu.dma_semaphore, #tpu.memory_space<semaphore_mem>>
        %dma_start3A_124 = arith.constant 0 : i32
        %dma_start3A_125 = tpu.memref_slice %arg4[%add3A_93, %mul3A_2, %dma_start3A_124] : memref<50x4096x128xf32, #tpu.memory_space<hbm>> -> memref<1x128x128xf32, #tpu.memory_space<hbm>>
        %dma_start3A_126 = tpu.memref_squeeze %dma_start3A_125 : memref<1x128x128xf32, #tpu.memory_space<hbm>> -> memref<128x128xf32, #tpu.memory_space<hbm>>
        %dma_start3A_127 = arith.constant 0 : i32
        %dma_start3A_128 = tpu.memref_slice %arg4[%add3A_93, %mul3A_2, %dma_start3A_127] : memref<50x4096x128xf32, #tpu.memory_space<hbm>> -> memref<1x128x128xf32, #tpu.memory_space<hbm>>
        %dma_start3A_129 = tpu.memref_squeeze %dma_start3A_128 : memref<1x128x128xf32, #tpu.memory_space<hbm>> -> memref<128x128xf32, #tpu.memory_space<hbm>>
        tpu.enqueue_dma source(%arg9 : memref<128x128xf32, #tpu.memory_space<vmem>>) target(%dma_start3A_129 : memref<128x128xf32, #tpu.memory_space<hbm>>) target_semaphore(%run_scoped3A : memref<!tpu.dma_semaphore, #tpu.memory_space<semaphore_mem>>)
        %dma_wait3A_130 = arith.constant 0 : i32
        %dma_wait3A_131 = tpu.memref_slice %arg4[%add3A_93, %mul3A_2, %dma_wait3A_130] : memref<50x4096x128xf32, #tpu.memory_space<hbm>> -> memref<1x128x128xf32, #tpu.memory_space<hbm>>
        %dma_wait3A_132 = tpu.memref_squeeze %dma_wait3A_131 : memref<1x128x128xf32, #tpu.memory_space<hbm>> -> memref<128x128xf32, #tpu.memory_space<hbm>>
        %dma_wait3A_133 = arith.constant 0 : i32
        %dma_wait3A_134 = tpu.memref_slice %arg4[%add3A_93, %mul3A_2, %dma_wait3A_133] : memref<50x4096x128xf32, #tpu.memory_space<hbm>> -> memref<1x128x128xf32, #tpu.memory_space<hbm>>
        %dma_wait3A_135 = tpu.memref_squeeze %dma_wait3A_134 : memref<1x128x128xf32, #tpu.memory_space<hbm>> -> memref<128x128xf32, #tpu.memory_space<hbm>>
        tpu.wait_dma2 semaphore(%run_scoped3A : memref<!tpu.dma_semaphore, #tpu.memory_space<semaphore_mem>>) src(%arg9 : memref<128x128xf32, #tpu.memory_space<vmem>>) dst(%dma_wait3A_135 : memref<128x128xf32, #tpu.memory_space<hbm>>)
        tpu.yield
      }) : () -> ()
      %add3A_100 = arith.constant 5 : i32
      %add3A_101 = arith.addi %add3A_93, %add3A_100 : i32
      %lt3A_102 = arith.constant 50 : i32
      %lt3A_103 = arith.cmpi slt, %add3A_101, %lt3A_102 : i32
      %convert_element_type3A_104 = arith.extui %lt3A_103 : i1 to i32
      %cond3A_105 = arith.constant 0 : i32
      %cond3A_106 = arith.cmpi ne, %convert_element_type3A_104, %cond3A_105 : i32
      scf.if %cond3A_106 {
        %add3A_124 = arith.constant 5 : i32
        %add3A_125 = arith.addi %add3A_93, %add3A_124 : i32
        %dma_start3A_126 = arith.constant 0 : i32
        %dma_start3A_127 = tpu.memref_slice %arg5[%add3A_125, %dma_start3A_126] : memref<50x128xi32, #tpu.memory_space<vmem>> -> memref<1x128xi32, #tpu.memory_space<vmem>>
        %dma_start3A_128 = tpu.memref_squeeze %dma_start3A_127 : memref<1x128xi32, #tpu.memory_space<vmem>> -> memref<128xi32, #tpu.memory_space<vmem>>
        %dma_start3A_129 = arith.constant 0 : i32
        %dma_start3A_130 = arith.constant 0 : i32
        %dma_start3A_131 = tpu.memref_slice %arg3[%dma_start3A_129, %dma_start3A_130] : memref<100000x128xf32, #tpu.memory_space<hbm>> -> memref<100000x128xf32, #tpu.memory_space<hbm>>
        tpu.enqueue_indirect_dma source(%dma_start3A_131 : memref<100000x128xf32, #tpu.memory_space<hbm>>) target(%arg9 : memref<128x128xf32, #tpu.memory_space<vmem>>) offsets(%dma_start3A_128 : memref<128xi32, #tpu.memory_space<vmem>>) semaphore(%arg14 : memref<!tpu.dma_semaphore, #tpu.memory_space<semaphore_mem>>)
      } else {
      }
      %mul3A_107 = arith.constant 5 : i32
      %mul3A_108 = arith.muli %scan3A_42, %mul3A_107 : i32
      %add3A_109 = arith.constant 4 : i32
      %add3A_110 = arith.addi %mul3A_108, %add3A_109 : i32
      %dma_wait3A_111 = arith.constant 0 : i32
      %dma_wait3A_112 = tpu.memref_slice %arg5[%add3A_110, %dma_wait3A_111] : memref<50x128xi32, #tpu.memory_space<vmem>> -> memref<1x128xi32, #tpu.memory_space<vmem>>
      %dma_wait3A_113 = tpu.memref_squeeze %dma_wait3A_112 : memref<1x128xi32, #tpu.memory_space<vmem>> -> memref<128xi32, #tpu.memory_space<vmem>>
      %dma_wait3A_114 = arith.constant 0 : i32
      %dma_wait3A_115 = arith.constant 0 : i32
      %dma_wait3A_116 = tpu.memref_slice %arg3[%dma_wait3A_114, %dma_wait3A_115] : memref<100000x128xf32, #tpu.memory_space<hbm>> -> memref<100000x128xf32, #tpu.memory_space<hbm>>
      tpu.wait_indirect_dma semaphore(%arg15 : memref<!tpu.dma_semaphore, #tpu.memory_space<semaphore_mem>>) src(%dma_wait3A_116 : memref<100000x128xf32, #tpu.memory_space<hbm>>) dst(%arg10 : memref<128x128xf32, #tpu.memory_space<vmem>>)
      "tpu.region"() ({
        %run_scoped3A = tpu.sem_alloc : memref<!tpu.dma_semaphore, #tpu.memory_space<semaphore_mem>>
        %dma_start3A_124 = arith.constant 0 : i32
        %dma_start3A_125 = tpu.memref_slice %arg4[%add3A_110, %mul3A_2, %dma_start3A_124] : memref<50x4096x128xf32, #tpu.memory_space<hbm>> -> memref<1x128x128xf32, #tpu.memory_space<hbm>>
        %dma_start3A_126 = tpu.memref_squeeze %dma_start3A_125 : memref<1x128x128xf32, #tpu.memory_space<hbm>> -> memref<128x128xf32, #tpu.memory_space<hbm>>
        %dma_start3A_127 = arith.constant 0 : i32
        %dma_start3A_128 = tpu.memref_slice %arg4[%add3A_110, %mul3A_2, %dma_start3A_127] : memref<50x4096x128xf32, #tpu.memory_space<hbm>> -> memref<1x128x128xf32, #tpu.memory_space<hbm>>
        %dma_start3A_129 = tpu.memref_squeeze %dma_start3A_128 : memref<1x128x128xf32, #tpu.memory_space<hbm>> -> memref<128x128xf32, #tpu.memory_space<hbm>>
        tpu.enqueue_dma source(%arg10 : memref<128x128xf32, #tpu.memory_space<vmem>>) target(%dma_start3A_129 : memref<128x128xf32, #tpu.memory_space<hbm>>) target_semaphore(%run_scoped3A : memref<!tpu.dma_semaphore, #tpu.memory_space<semaphore_mem>>)
        %dma_wait3A_130 = arith.constant 0 : i32
        %dma_wait3A_131 = tpu.memref_slice %arg4[%add3A_110, %mul3A_2, %dma_wait3A_130] : memref<50x4096x128xf32, #tpu.memory_space<hbm>> -> memref<1x128x128xf32, #tpu.memory_space<hbm>>
        %dma_wait3A_132 = tpu.memref_squeeze %dma_wait3A_131 : memref<1x128x128xf32, #tpu.memory_space<hbm>> -> memref<128x128xf32, #tpu.memory_space<hbm>>
        %dma_wait3A_133 = arith.constant 0 : i32
        %dma_wait3A_134 = tpu.memref_slice %arg4[%add3A_110, %mul3A_2, %dma_wait3A_133] : memref<50x4096x128xf32, #tpu.memory_space<hbm>> -> memref<1x128x128xf32, #tpu.memory_space<hbm>>
        %dma_wait3A_135 = tpu.memref_squeeze %dma_wait3A_134 : memref<1x128x128xf32, #tpu.memory_space<hbm>> -> memref<128x128xf32, #tpu.memory_space<hbm>>
        tpu.wait_dma2 semaphore(%run_scoped3A : memref<!tpu.dma_semaphore, #tpu.memory_space<semaphore_mem>>) src(%arg10 : memref<128x128xf32, #tpu.memory_space<vmem>>) dst(%dma_wait3A_135 : memref<128x128xf32, #tpu.memory_space<hbm>>)
        tpu.yield
      }) : () -> ()
      %add3A_117 = arith.constant 5 : i32
      %add3A_118 = arith.addi %add3A_110, %add3A_117 : i32
      %lt3A_119 = arith.constant 50 : i32
      %lt3A_120 = arith.cmpi slt, %add3A_118, %lt3A_119 : i32
      %convert_element_type3A_121 = arith.extui %lt3A_120 : i1 to i32
      %cond3A_122 = arith.constant 0 : i32
      %cond3A_123 = arith.cmpi ne, %convert_element_type3A_121, %cond3A_122 : i32
      scf.if %cond3A_123 {
        %add3A_124 = arith.constant 5 : i32
        %add3A_125 = arith.addi %add3A_110, %add3A_124 : i32
        %dma_start3A_126 = arith.constant 0 : i32
        %dma_start3A_127 = tpu.memref_slice %arg5[%add3A_125, %dma_start3A_126] : memref<50x128xi32, #tpu.memory_space<vmem>> -> memref<1x128xi32, #tpu.memory_space<vmem>>
        %dma_start3A_128 = tpu.memref_squeeze %dma_start3A_127 : memref<1x128xi32, #tpu.memory_space<vmem>> -> memref<128xi32, #tpu.memory_space<vmem>>
        %dma_start3A_129 = arith.constant 0 : i32
        %dma_start3A_130 = arith.constant 0 : i32
        %dma_start3A_131 = tpu.memref_slice %arg3[%dma_start3A_129, %dma_start3A_130] : memref<100000x128xf32, #tpu.memory_space<hbm>> -> memref<100000x128xf32, #tpu.memory_space<hbm>>
        tpu.enqueue_indirect_dma source(%dma_start3A_131 : memref<100000x128xf32, #tpu.memory_space<hbm>>) target(%arg10 : memref<128x128xf32, #tpu.memory_space<vmem>>) offsets(%dma_start3A_128 : memref<128xi32, #tpu.memory_space<vmem>>) semaphore(%arg15 : memref<!tpu.dma_semaphore, #tpu.memory_space<semaphore_mem>>)
      } else {
      }
    }
    %scan3A_41 = arith.constant 10 : i32
    return
  }
}

</mosaic_0001>

<sc_bundles>
// kernel: kernel.3.cloned.1.call-start
scs
__scs_entry_jumppad:
0x0: {  	(pc) =	sbr.rel $0x88, $3  }
0x1: {  	(tag) =	ssettag $0x0;
	lr =	simm.s32 $0x1  }
0x2: {  	[smem:$0x3F9F] =	sst lr;
	_ =	strace $0xD0000000  }
0x3: {  	_ = 	snop  }
0x4: {  	_ = 	snop  }
0x5: {  	_ = 	snop  }
0x6: {  	_ = 	snop  }
0x7: {  	_ = 	snop  }
__scs_overlays_trampoline_lowered:
0x8: {  	[smem:$0x3FAE] =	sst s0  }
0x9: {  	[smem:$0x3FAF] =	sst s1  }
0xa: {  	[smem:$0x3FB0] =	sst s2  }
0xb: {  	[smem:$0x3FB1] =	sst s3  }
0xc: {  	[smem:$0x3FB2] =	sst s4  }
0xd: {  	[smem:$0x3FB3] =	sst s5  }
0xe: {  	[smem:$0x3FB4] =	sst s6  }
0xf: {  	[smem:$0x3FB5] =	sst s7  }
0x10: {  	[smem:$0x3FB6] =	sst s8  }
0x11: {  	[smem:$0x3FB7] =	sst s9;
	s0 =	simm.s32 @!p0 $0x0  }
0x12: {  	s1 =	sld [smem:$0x3F9D];
	s0 =	simm.s32 @p0 $0x1  }
0x13: {  	[smem:$0x3FB8] =	sst s0;
	s0 =	simm.s32 @!p1 $0x0  }
0x14: {  	s2 =	sld [smem:$0x3F9C];
	s0 =	simm.s32 @p1 $0x1  }
0x15: {  	[smem:$0x3FB9] =	sst s0;
	s0 =	simm.s32 @!p2 $0x0  }
0x16: {  	s3 =	sld [smem:$0x3FDB];
	s0 =	simm.s32 @p2 $0x1  }
0x17: {  	s4 =	simm.s32 $0x1BF5;
	[smem:$0x3FBB] =	sst s0  }
0x18: {  	s0 =	sld [smem:$0x3F9E];
	_ =	swait.ge [sflag:s4], $0x0  }
0x19: {  	s7 =	sld [smem:$0x3F9F]  }
0x1a: {  	s8 =	sadd.s32 $0xFFFFE003, lr  }
0x1b: {  	s9 =	sadd.s32 $0xFFFFFEF7, lr;
	s5 =	simm.s32 $0xFFFFFFFF;
	p2 =	slt.u32 s8, $0xFFFFF086  }
0x1c: {  	p1 =	slt.u32 s9, $0xF7A;
	s5 =	simm.s32 @!p2 $0x0  }
0x1d: {  	s5 =	simm.s32 @p1 $0x1;
	p0 =	seq.s32 s7, s2  }
0x1e: {  	s7 =	smul.u32 @!p0 $0xF7A, s2;
	p2 =	seq.s32 @!p0 s5, $0x0  }
0x1f: {  	s9 =	smul.u32 $0xF7A, s1;
	s8 =	simm.s32 @!p0 $0x1BF5;
	p2 =	por !p2, p0  }
0x20: {  	[sflag:s8] =	ssyncset.s32 @!p0 $0xFFFFF086;
	s6 =	sadd.s32 @!p0 s3, s7;
	s7 =	simm.s32 @!p0 $0x108  }
0x21: {  	s3 =	sadd.s32 s3, s9;
	s6 =	sadd.s32 @!p0 $0x88, s6;
	s7 =	simm.s32 @p2 $0x1082  }
0x22: {  	[simem:s7], [sflag:s8] =	dma.local @!p0 [hbm:s6], $0xF7A  }
0x23: {  	s9 =	sor.u32 $0xD0000000, s2;
	s6 =	simm.s32 $0x108;
	_ =	swait.ge @!p0 [sflag:s8], $0x0  }
0x24: {  	s3 =	sadd.s32 $0x88, s3;
	s6 =	simm.s32 @!p1 $0x1082;
	[sflag:s4] =	ssyncset.s32 $0xFFFFF086  }
0x25: {  	[simem:s6], [sflag:s4] =	dma.local [hbm:s3], $0xF7A  }
0x26: {  	[smem:$0x3F9F] =	sst s1;
	(tag) =	ssettag s2;
	_ =	strace s9  }
0x27: {  	s1 =	sld [smem:$0x3FAF]  }
0x28: {  	s2 =	sld [smem:$0x3FB0]  }
0x29: {  	s4 =	sld [smem:$0x3FB2]  }
0x2a: {  	p0 =	seq.s32 s5, $0x0;
	s5 =	sld [smem:$0x3FB3]  }
0x2b: {  	s6 =	sld [smem:$0x3FB4]  }
0x2c: {  	s7 =	sld [smem:$0x3FB5]  }
0x2d: {  	s3 =	simm.s32 $0x108;
	s8 =	sld [smem:$0x3FB6]  }
0x2e: {  	s3 =	simm.s32 @!p0 $0x1082;
	s9 =	sld [smem:$0x3FB7]  }
0x2f: {  	lr =	sadd.s32 s0, s3;
	s0 =	sld [smem:$0x3FAE]  }
0x30: {  	s3 =	sld [smem:$0x3FB1]  }
0x31: {  	[smem:$0x3FBA] =	sst s10  }
0x32: {  	s10 =	sld [smem:$0x3FB8];
	_ =	sdelay $0x3  }
0x33: {  	p0 =	seq.s32 s10, $0x1;
	s10 =	sld [smem:$0x3FBA];
	_ =	sdelay $0x3  }
0x34: {  	[smem:$0x3FBA] =	sst s10  }
0x35: {  	s10 =	sld [smem:$0x3FB9];
	_ =	sdelay $0x3  }
0x36: {  	p1 =	seq.s32 s10, $0x1;
	s10 =	sld [smem:$0x3FBA];
	_ =	sdelay $0x3  }
0x37: {  	[smem:$0x3FBA] =	sst s10  }
0x38: {  	s10 =	sld [smem:$0x3FBB]  }
0x39: {  	_ = 	snop;
	(pc) =	sbr.ind lr, $3  }
0x3a: {  	_ = 	snop  }
0x3b: {  	_ = 	snop  }
0x3c: {  	p2 =	seq.s32 s10, $0x1;
	s10 =	sld [smem:$0x3FBA]  }
0x3d: {  	_ =	shalt  }
0x3e: {  	_ =	shalt  }
0x3f: {  	_ =	shalt  }
0x40: {  	_ =	shalt  }
0x41: {  	_ =	shalt  }
0x42: {  	_ =	shalt  }
0x43: {  	_ =	shalt  }
0x44: {  	_ =	shalt  }
0x45: {  	_ =	shalt  }
0x46: {  	_ =	shalt  }
0x47: {  	_ =	shalt  }
0x48: {  	_ =	shalt  }
0x49: {  	_ =	shalt  }
0x4a: {  	_ =	shalt  }
0x4b: {  	_ =	shalt  }
0x4c: {  	_ =	shalt  }
0x4d: {  	_ =	shalt  }
0x4e: {  	_ =	shalt  }
0x4f: {  	_ =	shalt  }
0x50: {  	_ =	shalt  }
0x51: {  	_ =	shalt  }
0x52: {  	_ =	shalt  }
0x53: {  	_ =	shalt  }
0x54: {  	_ =	shalt  }
0x55: {  	_ =	shalt  }
0x56: {  	_ =	shalt  }
0x57: {  	_ =	shalt  }
0x58: {  	_ =	shalt  }
0x59: {  	_ =	shalt  }
0x5a: {  	_ =	shalt  }
0x5b: {  	_ =	shalt  }
0x5c: {  	_ =	shalt  }
0x5d: {  	_ =	shalt  }
0x5e: {  	_ =	shalt  }
0x5f: {  	_ =	shalt  }
0x60: {  	_ =	shalt  }
0x61: {  	_ =	shalt  }
0x62: {  	_ =	shalt  }
0x63: {  	_ =	shalt  }
0x64: {  	_ =	shalt  }
0x65: {  	_ =	shalt  }
0x66: {  	_ =	shalt  }
0x67: {  	_ =	shalt  }
0x68: {  	_ =	shalt  }
0x69: {  	_ =	shalt  }
0x6a: {  	_ =	shalt  }
0x6b: {  	_ =	shalt  }
0x6c: {  	_ =	shalt  }
0x6d: {  	_ =	shalt  }
0x6e: {  	_ =	shalt  }
0x6f: {  	_ =	shalt  }
0x70: {  	_ =	shalt  }
0x71: {  	_ =	shalt  }
0x72: {  	_ =	shalt  }
0x73: {  	_ =	shalt  }
0x74: {  	_ =	shalt  }
0x75: {  	_ =	shalt  }
0x76: {  	_ =	shalt  }
0x77: {  	_ =	shalt  }
0x78: {  	_ =	shalt  }
0x79: {  	_ =	shalt  }
0x7a: {  	_ =	shalt  }
0x7b: {  	_ =	shalt  }
0x7c: {  	_ =	shalt  }
0x7d: {  	_ =	shalt  }
0x7e: {  	_ =	shalt  }
0x7f: {  	_ =	shalt  }
0x80: {  	_ =	shalt  }
0x81: {  	_ =	shalt  }
0x82: {  	_ =	shalt  }
0x83: {  	_ =	shalt  }
0x84: {  	_ =	shalt  }
0x85: {  	_ =	shalt  }
0x86: {  	_ =	shalt  }
0x87: {  	_ =	shalt  }
.Lfunc_end0:
.L_simem_size_0:
called_computation_lowered:
.L_overlay_start_0:
0x88: {  	s2 =	sld [smem:$0x3FD9]  }
0x89: {  	s3 =	sld [smem:$0x3FFE];
	_ =	sdelay $0x1  }
0x8a: {  	s1 =	srdreg.scid  }
0x8b: {  	s0 =	sand.u32 $0x1, s1  }
0x8c: {  	s18 =	sshll.u32 s0, $0xA;
	s2 =	sadd.s32 s3, s2  }
0x8d: {  	s2 =	sadd.s32 s2, s18  }
0x8e: {  	[smem:$0x3FC6] =	sst s2  }
0x8f: {  	_ = 	snop  }
0x90: {  	s2 =	sld [smem:$0x3FC9]  }
0x91: {  	s19 =	sld [smem:$0x3FC8]  }
0x92: {  	s4 =	sld [smem:$0x3FD0];
	(tm) =	ssettm $0x1  }
0x93: {  	s5 =	sld [smem:$0x3FFB];
	_ =	sdelay $0x3  }
0x94: {  	_ =	strace s5  }
0x95: {  	s5 =	sld [smem:$0x3FFC];
	_ =	sdelay $0x3  }
0x96: {  	_ =	strace s5  }
0x97: {  	s5 =	sld [smem:$0x3FFD];
	_ =	sdelay $0x3  }
0x98: {  	_ =	strace s5  }
0x99: {  	_ =	strace $0x8FFFFFFF  }
0x9a: {  	s20 =	sld [smem:$0x3FDB];
	_ =	sdelay $0x1  }
0x9b: {  	s6 =	simm.s32 $_scs_section_size  }
0x9c: {  	s7 =	simm.s32 $_size__tile_overlayer_lowered;
	s8 =	simm.s32 $_tile_overlayer_lowered  }
0x9d: {  	s23 =	simm.s32 $0x1BFF;
	s22 =	sshll.u32 s8, $0x1;
	s5 =	sadd.s32 s6, s20  }
0x9e: {  	s9 =	simm.s32 $0x0;
	s21 =	sshll.u32 s7, $0x1;
	s7 =	sadd.s32 s22, s5  }
0x9f: {  	[timem:s9], [sflag:s23] =	dma.local [hbm:s7], s21  }
0xa0: {  	_ =	swait.ge [sflag:s23], s21  }
0xa1: {  	s6 =	ssub.s32 $0x0, s21;
	[sflag:s23] =	ssyncset.done $0x0  }
0xa2: {  	[sflag:s23] =	ssyncadd.s32 s6;
	_ =	sdelay $0x1  }
0xa3: {  	s24 =	simm.s32 $0x1B8B  }
0xa4: {  	_ =	swait.ge [sflag:s24], $0x1  }
0xa5: {  	[sflag:s24] =	ssyncset.done $0x0  }
0xa6: {  	s25 =	simm.s32 $0x1B8E;
	[sflag:s24] =	ssyncadd.s32 $0xFFFFFFFF  }
0xa7: {  	s26 =	simm.s32 $execute0_lowered;
	[smem:$0x3FD2] =	sst s25  }
0xa8: {  	s6 =	sshll.u32 s26, $0x1;
	_ =	strace $0x80000046;
	[dreg:$0x1] =	wrdreg $0xFFFFFFFF  }
0xa9: {  	s28 =	simm.s32 $_size_execute0_lowered;
	s5 =	sadd.s32 s5, s6;
	[dreg:$0x0] =	wrdreg $0x0  }
0xaa: {  	s6 =	sshll.u32 s28, $0x1;
	[dreg:$0x2] =	wrdreg s5  }
0xab: {  	[dreg:$0x3] =	wrdreg s6  }
0xac: {  	[dreg:$0x4] =	wrdreg $0xC0  }
0xad: {  	_ =	task [dreg:s9], $0x5FFFF  }
0xae: {  	[dreg:$0x1] =	wrdreg $0xFFFFFFFF  }
0xaf: {  	[dreg:$0x0] =	wrdreg $0x60  }
0xb0: {  	[dreg:$0x2] =	wrdreg s2  }
0xb1: {  	[dreg:$0x3] =	wrdreg s19  }
0xb2: {  	[dreg:$0x4] =	wrdreg s4  }
0xb3: {  	[dreg:$0x5] =	wrdreg $0x9  }
0xb4: {  	_ =	task.clear_ibuf [dreg:s9], $0x6FFFF;
	_ =	strace $0x90000046  }
0xb5: {  	s29 =	simm.s32 $0x9;
	_ =	strace $0x80000048  }
0xb6: {  	_ =	swait.ge [sflag:s29], $0x1  }
0xb7: {  	[sflag:s29] =	ssyncadd.s32 $0xFFFFFFFF  }
0xb8: {  	_ =	strace $0x90000048  }
0xb9: {  	_ =	sfence  }
0xba: {  	s30 =	sld [smem:$0x0];
	_ =	sdelay $0x2  }
0xbb: {  	s31 =	sshll.u32 s1, $0xD;
	s1 =	sshrl.u32 s1, $0x2  }
0xbc: {  	s3 =	sand.u32 $0x4000, s31;
	s1 =	sadd.s32 s1, s30  }
0xbd: {  	s0 =	sor.u32 s3, s0;
	s1 =	sshll.u32 s1, $0x11  }
0xbe: {  	s0 =	sor.u32 s1, s0  }
0xbf: {  	s0 =	sadd.s32 $0x8F2B, s0  }
0xc0: {  	[sflag:s0] =	ssyncadd.remote.s32 $0x1  }
0xc1: {  	_ =	sfence.sel $0xFFFF  }
0xc2: {  	[dreg:$0x0] =	wrdreg $0xFFFFFFFF;
	(pc) =	sbr.abs _section_cstart, $3  }
0xc3: {  	[dreg:$0x1] =	wrdreg $0xFFFFFFFF  }
0xc4: {  	_ =	task.clear_ibuf [dreg:s9], $0x2FFFF;
	_ =	strace $0x9FFFFFFF  }
0xc5: {  	(tm) =	ssettm $0x7FFFFFFF  }
tec
execute0_lowered:
.L_overlay_start_1:
0x0: {  	(tag) =	ssettag $0x1  }
0x1: {  	s0 =	rddreg [dreg:$0x0]  }
0x2: {  	s1 =	rddreg [dreg:$0x1]  }
0x3: {  	s7 =	rddreg [dreg:$0x2]  }
0x4: {  	s3 =	simm.s32 $0x0;
	s2 =	srdreg.scid;
	s8 =	stileid.u32  }
0x5: {  	s28 =	simm.s32 $0x3;
	s29 =	simm.s32 $0x4;
	s30 =	simm.s32 $0x5  }
0x6: {  	s31 =	simm.s32 $0x0;
	[smem:$0x7FF] =	sst s3;
	s2 =	sand.u32 $0x1, s2  }
0x7: {  	s4 =	sshll.u32 s8, $0x8;
	s15 =	sshll.u32 s8, $0xF;
	_ =	strace $0x80000047  }
0x8: {  	s5 =	ssub.s32 $0x2, s2;
	s6 =	sshll.u32 s2, $0x7;
	s2 =	sshll.u32 s2, $0xE  }
0x9: {  	s4 =	sor.u32 s6, s4;
	s16 =	sshrl.u32 s5, $0x1;
	s17 =	sor.u32 s2, s15  }
0xa: {  	s15 =	simm.s32 $0x6;
	s4 =	sadd.s32 s0, s4;
	s18 =	ssub.s32 s5, s16  }
0xb: {  	s19 =	sor.u32 $0x200000, s17;
	s21 =	sor.u32 $0x180000, s17;
	s23 =	sor.u32 $0x100000, s17  }
0xc: {  	s25 =	sor.u32 $0x80000, s17;
	s0 =	sshrl.u32 s17, $0x3;
	s16 =	simm.s32 $0x80  }
0xd: {  	s17 =	simm.s32 $0x1C00;
	[dreg:$0x4] =	wrdreg s4;
	s4 =	sadd.s32 $0x6000, s4  }
0xe: {  	s6 =	smax.u32 s18, $0x1;
	s20 =	sshrl.u32 s19, $0x3;
	s22 =	sshrl.u32 s21, $0x3  }
.Ltmp0:
0xf: {  	s24 =	sshrl.u32 s23, $0x3;
	s26 =	sshrl.u32 s25, $0x3;
	(pc) =	sbr.rel .LBB2_1-.Ltmp0, $4  }
0x10: {  	s0 =	sadd.s32 s0, s7;
	s18 =	simm.s32 $0x5C00;
	s25 =	simm.s32 $0x1  }
0x11: {  	[dreg:$0x5] =	wrdreg s4;
	s14 =	sadd.s32 s20, s7;
	s13 =	sadd.s32 s22, s7  }
0x12: {  	s12 =	sadd.s32 s24, s7;
	s2 =	sadd.s32 s26, s7;
	s20 =	simm.s32 $0x9C00  }
0x13: {  	s22 =	simm.s32 $0xDC00;
	s24 =	simm.s32 $0x11C00;
	s26 =	simm.s32 $0x2  }
.LBB2_4:
0x14: {  	s31 =	sadd.s32 $0x1, s31  }
0x15: {  	p0 =	sne.s32 s31, s6  }
.Ltmp1:
0x16: {  	_ = 	snop;
	(pc) =	sbr.rel @!p0 .LBB2_5-.Ltmp1, $1  }
0x17: {  	_ =	sdelay $0x3  }
.LBB2_1:
0x18: {  	s4 =	rddreg [dreg:$0x4];
	s5 =	simm.s32 $0x400;
	s7 =	simm.s32 $0x8000  }
0x19: {  	[tilespmem:s3], [sflag:$0x6] =	stream.strided.gather [hbm4b:s4+s5], $0x1800, s7, s5, $0x38;
	[tilespmem:$0x15C00] =	vst v63  }
0x1a: {  	s10 =	rddreg [dreg:$0x5];
	s11 =	simm.s32 $0x1800  }
0x1b: {  	[tilespmem:s11], [sflag:$0x6] =	stream.linear.gather [hbm4b:s10+s3], $0x100, $0x38;
	[tilespmem:$0x15C00] =	vst v63  }
0x1c: {  	_ =	swait.ge [sflag:s15], $0x1900  }
0x1d: {  	[sflag:s15] =	ssyncset.done $0x0  }
0x1e: {  	[sflag:s15] =	ssyncadd.s32 $0xFFFFE700  }
0x1f: {  	[tilespmem:s17], [sflag:$0x1] =	stream.indirect.gather [hbm4b:s1+s16], $0x80, s3, s16, $0xb8;
	[tilespmem:$0x15C00] =	vst v63  }
0x20: {  	_ = 	snop  }
0x21: {  	[tilespmem:s18], [sflag:$0x2] =	stream.indirect.gather [hbm4b:s1+s16], $0x80, s16, s16, $0xb8;
	[tilespmem:$0x15C00] =	vst v63  }
0x22: {  	s19 =	simm.s32 $0x100;
	s21 =	simm.s32 $0x180;
	s23 =	simm.s32 $0x200  }
0x23: {  	[tilespmem:s20], [sflag:$0x3] =	stream.indirect.gather [hbm4b:s1+s16], $0x80, s19, s16, $0xb8;
	[tilespmem:$0x15C00] =	vst v63  }
0x24: {  	s9 =	smov.u32 s12;
	s8 =	smov.u32 s13;
	s7 =	smov.u32 s14  }
0x25: {  	[tilespmem:s22], [sflag:$0x4] =	stream.indirect.gather [hbm4b:s1+s16], $0x80, s21, s16, $0xb8;
	[tilespmem:$0x15C00] =	vst v63  }
0x26: {  	s11 =	smov.u32 s0;
	s10 =	smov.u32 s2;
	s19 =	simm.s32 $0x0  }
0x27: {  	[tilespmem:s24], [sflag:$0x5] =	stream.indirect.gather [hbm4b:s1+s16], $0x80, s23, s16, $0xb8;
	[tilespmem:$0x15C00] =	vst v63  }
.LBB2_2:
0x28: {  	_ =	swait.ge [sflag:s25], $0x4000  }
0x29: {  	[sflag:s25] =	ssyncset.done $0x0  }
0x2a: {  	[sflag:s25] =	ssyncadd.s32 $0xFFFFC000  }
0x2b: {  	[hbm4b:s11+s3] =	stream.linear.scatter [tilespmem:s17], [sflag:$0x6], $0x4000, $0x38;
	[tilespmem:$0x15C00] =	vst v63  }
0x2c: {  	p0 =	seq.s32 s19, $0x5A00;
	_ =	swait.ge [sflag:s15], $0x4000  }
0x2d: {  	s21 =	sshra.s32 @!p0 s19, $0x2;
	s5 =	simm.s32 @!p0 $0x80;
	[sflag:s15] =	ssyncset.done $0x0  }
0x2e: {  	s4 =	simm.s32 @!p0 $0x1C00;
	s23 =	sadd.s32 @!p0 $0x280, s21;
	[sflag:s15] =	ssyncadd.s32 $0xFFFFC000  }
0x2f: {  	[tilespmem:s4], [sflag:$0x1] =	stream.indirect.gather @!p0 [hbm4b:s1+s5], $0x80, s23, s5, $0xb8;
	[tilespmem:$0x15C00] =	vst v63  }
0x30: {  	_ =	swait.ge [sflag:s26], $0x4000  }
0x31: {  	[sflag:s26] =	ssyncset.done $0x0  }
0x32: {  	[sflag:s26] =	ssyncadd.s32 $0xFFFFC000  }
0x33: {  	[hbm4b:s10+s3] =	stream.linear.scatter [tilespmem:s18], [sflag:$0x6], $0x4000, $0x38;
	[tilespmem:$0x15C00] =	vst v63  }
0x34: {  	_ =	swait.ge [sflag:s15], $0x4000  }
0x35: {  	[sflag:s15] =	ssyncset.done $0x0  }
0x36: {  	s4 =	sadd.s32 @!p0 $0x300, s21;
	s23 =	simm.s32 @!p0 $0x5C00;
	[sflag:s15] =	ssyncadd.s32 $0xFFFFC000  }
0x37: {  	[tilespmem:s23], [sflag:$0x2] =	stream.indirect.gather @!p0 [hbm4b:s1+s5], $0x80, s4, s5, $0xb8;
	[tilespmem:$0x15C00] =	vst v63  }
0x38: {  	_ =	swait.ge [sflag:s28], $0x4000  }
0x39: {  	[sflag:s28] =	ssyncset.done $0x0  }
0x3a: {  	[sflag:s28] =	ssyncadd.s32 $0xFFFFC000  }
0x3b: {  	[hbm4b:s9+s3] =	stream.linear.scatter [tilespmem:s20], [sflag:$0x6], $0x4000, $0x38;
	[tilespmem:$0x15C00] =	vst v63  }
0x3c: {  	_ =	swait.ge [sflag:s15], $0x4000  }
0x3d: {  	[sflag:s15] =	ssyncset.done $0x0  }
0x3e: {  	s4 =	sadd.s32 @!p0 $0x380, s21;
	s23 =	simm.s32 @!p0 $0x9C00;
	[sflag:s15] =	ssyncadd.s32 $0xFFFFC000  }
0x3f: {  	[tilespmem:s23], [sflag:$0x3] =	stream.indirect.gather @!p0 [hbm4b:s1+s5], $0x80, s4, s5, $0xb8;
	[tilespmem:$0x15C00] =	vst v63  }
0x40: {  	_ =	swait.ge [sflag:s29], $0x4000  }
0x41: {  	[sflag:s29] =	ssyncset.done $0x0  }
0x42: {  	[sflag:s29] =	ssyncadd.s32 $0xFFFFC000  }
0x43: {  	[hbm4b:s8+s3] =	stream.linear.scatter [tilespmem:s22], [sflag:$0x6], $0x4000, $0x38;
	[tilespmem:$0x15C00] =	vst v63  }
0x44: {  	_ =	swait.ge [sflag:s15], $0x4000  }
0x45: {  	[sflag:s15] =	ssyncset.done $0x0  }
0x46: {  	s4 =	sadd.s32 @!p0 $0x400, s21;
	s21 =	simm.s32 @!p0 $0xDC00;
	[sflag:s15] =	ssyncadd.s32 $0xFFFFC000  }
0x47: {  	[tilespmem:s21], [sflag:$0x4] =	stream.indirect.gather @!p0 [hbm4b:s1+s5], $0x80, s4, s5, $0xb8;
	[tilespmem:$0x15C00] =	vst v63  }
0x48: {  	_ =	swait.ge [sflag:s30], $0x4000  }
0x49: {  	[sflag:s30] =	ssyncset.done $0x0  }
.Ltmp2:
0x4a: {  	[sflag:s30] =	ssyncadd.s32 $0xFFFFC000;
	(pc) =	sbr.rel @p0 .LBB2_4-.Ltmp2, $4  }
0x4b: {  	[hbm4b:s7+s3] =	stream.linear.scatter [tilespmem:s24], [sflag:$0x6], $0x4000, $0x38;
	[tilespmem:$0x15C00] =	vst v63  }
0x4c: {  	_ =	swait.ge [sflag:s15], $0x4000  }
0x4d: {  	[sflag:s15] =	ssyncset.done $0x0  }
0x4e: {  	[sflag:s15] =	ssyncadd.s32 $0xFFFFC000  }
.Ltmp3:
0x4f: {  	(pc) =	sbr.rel .LBB2_2-.Ltmp3, $4  }
0x50: {  	s4 =	sshra.s32 s19, $0x2;
	s19 =	sadd.s32 $0xA00, s19  }
0x51: {  	s7 =	sadd.s32 $0x50000, s7;
	s8 =	sadd.s32 $0x50000, s8;
	s9 =	sadd.s32 $0x50000, s9  }
0x52: {  	s10 =	sadd.s32 $0x50000, s10;
	s11 =	sadd.s32 $0x50000, s11;
	s4 =	sadd.s32 $0x480, s4  }
0x53: {  	[tilespmem:s24], [sflag:$0x5] =	stream.indirect.gather [hbm4b:s1+s16], $0x80, s4, s16, $0xb8;
	[tilespmem:$0x15C00] =	vst v63  }
.LBB2_5:
0x54: {  	_ =	sfence.sel $0x180000  }
0x55: {  	[bflag:$0x0] =	sbarrier.arrive $0xFFFF  }
0x56: {  	_ =	strace $0x90000047  }
0x57: {  	s0 =	stileid.u32;
	[bflag:$0x2] =	sbarrier.arrive $0xFFFF  }
0x58: {  	p0 =	sne.s32 s0, $0x0;
	s0 =	rddreg [dreg:$0x3]  }
0x59: {  	s0 =	sadd.s32 @!p0 $0x100000, s0  }
0x5a: {  	[sflag:s0] =	ssyncadd.tile.s32 @!p0 $0x1;
	_ =	shalt  }
.Lfunc_end2:
_tile_overlayer_lowered:
.L_overlay_start_2:
0x5b: {  	(tag) =	ssettag $0x2  }
0x5c: {  	s0 =	rddreg [dreg:$0x0];
	s2 =	stileid.u32  }
0x5d: {  	s1 =	rddreg [dreg:$0x1];
	p0 =	sne.s32 s2, $0x0  }
0x5e: {  	s3 =	rddreg [dreg:$0x2];
	[bflag:$0x3] =	sbarrier.arrive $0xFFFF;
	s2 =	simm.s32 @!p0 $0x1C06  }
0x5f: {  	[timem:s3], [sflag:s2] =	dma.local @!p0 [hbm:s0], s1  }
0x60: {  	s0 =	simm.s32 @!p0 $0x6  }
0x61: {  	_ =	swait.ge @!p0 [sflag:s0], s1  }
0x62: {  	s1 =	ssub.s32 @!p0 $0x0, s1;
	[sflag:s0] =	ssyncset.done @!p0 $0x0  }
0x63: {  	[sflag:s0] =	ssyncadd.s32 @!p0 s1  }
0x64: {  	[bflag:$0x3] =	sbarrier.arrive $0xFFFF  }
0x65: {  	_ =	shalt  }

</sc_bundles>
